<compile_context>
chip_gen: v7x
topology: tpu7x:2x2x1
jax: 0.10.2.dev20260603
libtpu: 0.0.44.dev20260713+nightly
codegen_flags: <defaults>
</compile_context>

<pallas_src>
import jax
import jax.numpy as jnp
from jax import lax
from jax.experimental import pallas as pl
from jax.experimental.pallas import tpu as pltpu
from jax.experimental.pallas import tpu_sc as plsc

B, L, D = 16, 2048, 512
LANES = 16
WORDS = L // 4
VECS = WORDS // LANES


def _body(maskw_hbm, emb_hbm, out_emb_hbm, mw_v, sem):
    b = lax.axis_index("s")

    pltpu.sync_copy(maskw_hbm.at[b], mw_v)
    def _step(i, a):
        return a + mw_v[pl.ds(i * LANES, LANES)]

    acc = lax.fori_loop(1, VECS, _step, mw_v[pl.ds(0, LANES)])
    acc = (acc & 0x00FF00FF) + ((acc >> 8) & 0x00FF00FF)
    acc = (acc & 0xFFFF) + ((acc >> 16) & 0xFFFF)
    length = acc[0]
    for j in range(1, LANES):
        length = length + acc[j]
    idx = jnp.maximum(length - 1, 0)
    pltpu.async_copy(emb_hbm.at[b, idx], out_emb_hbm.at[b, 0], sem).wait()


@jax.jit
def _last_item_call(maskw, embeddings):
    mesh = plsc.VectorSubcoreMesh(
        core_axis_name="c", subcore_axis_name="s", num_cores=1
    )
    f = pl.kernel(
        _body,
        out_type=jax.ShapeDtypeStruct((B, 1, D), jnp.float32),
        mesh=mesh,
        scratch_types=[
            pltpu.VMEM((WORDS,), jnp.int32),
            pltpu.SemaphoreType.DMA,
        ],
    )
    return f(maskw, embeddings)


def kernel(embeddings, mask):
    maskw = lax.bitcast_convert_type(
        mask.astype(jnp.uint8).reshape(B, WORDS, 4), jnp.int32
    )
    last_embeddings = _last_item_call(maskw, embeddings)
    last_masks = jnp.any(mask, axis=1, keepdims=True)
    return last_embeddings, last_masks

# --- scband reference (transcript-rebuilt; emitter-appended) ---
"""Pipeline reference for scband-last-item-encoder-79774722556318 (READ-ONLY COPY).

The authoritative reference and input builder live on the scoring server;
editing this copy changes nothing except your own understanding.
"""

import jax, jax.numpy as jnp
import numpy as np

B, L, D = 16, 2048, 512

def setup_inputs(seed: int = 0) -> dict:
    key = jax.random.key(seed)
    k1, k2 = jax.random.split(key)
    embeddings = jax.random.normal(k1, (B, L, D), dtype=jnp.float32)
    # left-aligned (prefix) validity mask with random lengths in [1, L],
    # matching the module's assumption that sum(mask)-1 indexes the last valid item
    lengths = jax.random.randint(k2, (B,), 1, L + 1)
    mask = jnp.arange(L)[None, :] < lengths[:, None]  # bool [B, L]
    return {"embeddings": embeddings, "mask": mask}

def reference(embeddings, mask):
    # embeddings[~mask] = 0  (functional equivalent of the in-place write)
    emb = jnp.where(mask[:, :, None], embeddings, jnp.zeros((), dtype=embeddings.dtype))
    # lengths = sum(mask, dim=-1); index of last valid element
    lengths = jnp.sum(mask.astype(jnp.int32), axis=-1)
    idx = (lengths - 1)[:, None]  # [B, 1]
    # last_masks = mask.gather(dim=1, index=lengths-1)
    last_masks = jnp.take_along_axis(mask, idx, axis=1)  # [B, 1] bool
    # tile index over feature dim and gather last embeddings
    idx3 = jnp.broadcast_to(idx[:, :, None], (emb.shape[0], 1, emb.shape[-1]))  # [B,1,D]
    last_embeddings = jnp.take_along_axis(emb, idx3, axis=1)  # [B, 1, D]
    return last_embeddings, last_masks

if __name__ == "__main__":
    import jax
    _d = setup_inputs()
    print(jax.jit(kernel)(*tuple(_d.values())))

</pallas_src>

<mosaic_0001>
#map = affine_map<(d0, d1) -> (0, 0)>
#map1 = affine_map<(d0, d1) -> (0, 0, 0)>
module attributes {stable_mosaic.version = 14 : i64} {
  func.func @_body(%arg0: i32, %arg1: i32, %arg2: memref<16x512xi32, #tpu.memory_space<hbm>>, %arg3: memref<16x2048x512xf32, #tpu.memory_space<hbm>>, %arg4: memref<16x1x512xf32, #tpu.memory_space<hbm>>, %arg5: memref<512xi32, #tpu.memory_space<vmem>>, %arg6: memref<!tpu.dma_semaphore, #tpu.memory_space<semaphore_mem>>) attributes {dimension_semantics = [#tpu.dimension_semantics<core_parallel>, #tpu.dimension_semantics<subcore_parallel>], iteration_bounds = array<i64: 1, 16>, scalar_prefetch = 0 : i64, scratch_operands = 2 : i64, tpu.core_type = #tpu.core_type<sc_vector_subcore>, window_params = [{transform_indices = #map}, {transform_indices = #map1}, {transform_indices = #map1}]} {
    "tpu.region"() ({
      %run_scoped3A = tpu.sem_alloc : memref<!tpu.dma_semaphore, #tpu.memory_space<semaphore_mem>>
      %dma_start3A_83 = arith.constant 0 : i32
      %dma_start3A_84 = tpu.memref_slice %arg2[%arg1, %dma_start3A_83] : memref<16x512xi32, #tpu.memory_space<hbm>> -> memref<1x512xi32, #tpu.memory_space<hbm>>
      %dma_start3A_85 = tpu.memref_squeeze %dma_start3A_84 : memref<1x512xi32, #tpu.memory_space<hbm>> -> memref<512xi32, #tpu.memory_space<hbm>>
      %dma_start3A_86 = arith.constant 0 : i32
      %dma_start3A_87 = tpu.memref_slice %arg2[%arg1, %dma_start3A_86] : memref<16x512xi32, #tpu.memory_space<hbm>> -> memref<1x512xi32, #tpu.memory_space<hbm>>
      %dma_start3A_88 = tpu.memref_squeeze %dma_start3A_87 : memref<1x512xi32, #tpu.memory_space<hbm>> -> memref<512xi32, #tpu.memory_space<hbm>>
      tpu.enqueue_dma source(%dma_start3A_88 : memref<512xi32, #tpu.memory_space<hbm>>) target(%arg5 : memref<512xi32, #tpu.memory_space<vmem>>) target_semaphore(%run_scoped3A : memref<!tpu.dma_semaphore, #tpu.memory_space<semaphore_mem>>)
      %dma_wait3A_89 = arith.constant 0 : i32
      %dma_wait3A_90 = tpu.memref_slice %arg2[%arg1, %dma_wait3A_89] : memref<16x512xi32, #tpu.memory_space<hbm>> -> memref<1x512xi32, #tpu.memory_space<hbm>>
      %dma_wait3A_91 = tpu.memref_squeeze %dma_wait3A_90 : memref<1x512xi32, #tpu.memory_space<hbm>> -> memref<512xi32, #tpu.memory_space<hbm>>
      %dma_wait3A_92 = arith.constant 0 : i32
      %dma_wait3A_93 = tpu.memref_slice %arg2[%arg1, %dma_wait3A_92] : memref<16x512xi32, #tpu.memory_space<hbm>> -> memref<1x512xi32, #tpu.memory_space<hbm>>
      %dma_wait3A_94 = tpu.memref_squeeze %dma_wait3A_93 : memref<1x512xi32, #tpu.memory_space<hbm>> -> memref<512xi32, #tpu.memory_space<hbm>>
      tpu.wait_dma2 semaphore(%run_scoped3A : memref<!tpu.dma_semaphore, #tpu.memory_space<semaphore_mem>>) src(%dma_wait3A_94 : memref<512xi32, #tpu.memory_space<hbm>>) dst(%arg5 : memref<512xi32, #tpu.memory_space<vmem>>)
      tpu.yield
    }) : () -> ()
    %get3A = arith.constant 0 : index
    %get3A_0 = tpu.vector_load %arg5[%get3A] {strides = array<i32>} : memref<512xi32, #tpu.memory_space<vmem>>, vector<16xi32>,
    %get3A_1 = vector.shape_cast %get3A_0 : vector<16xi32> to vector<16xi32>
    %scan3A = arith.constant 1 : i32
    %scan3A_2 = arith.constant 31 : i32
    %scan3A_3 = arith.addi %scan3A, %scan3A_2 : i32
    %scan3A_4 = arith.constant 1 : i32
    %scan3A_5 = scf.for %scan3A_83 = %scan3A to %scan3A_3 step %scan3A_4 iter_args(%scan3A_84 = %get3A_1) -> (vector<16xi32>)  : i32 {
      %mul3A = arith.constant 16 : i32
      %mul3A_85 = arith.muli %scan3A_83, %mul3A : i32
      %get3A_86 = arith.index_cast %mul3A_85 : i32 to index
      %get3A_87 = tpu.vector_load %arg5[%get3A_86] {strides = array<i32>} : memref<512xi32, #tpu.memory_space<vmem>>, vector<16xi32>,
      %get3A_88 = vector.shape_cast %get3A_87 : vector<16xi32> to vector<16xi32>
      %add3A_89 = arith.addi %scan3A_84, %get3A_88 : vector<16xi32>
      scf.yield %add3A_89 : vector<16xi32>
    }
    %scan3A_6 = arith.constant 31 : i32
    %and3A = arith.constant 16711935 : i32
    %and3A_7 = vector.broadcast %and3A : i32 to vector<16xi32>
    %and3A_8 = arith.andi %scan3A_5, %and3A_7 : vector<16xi32>
    %shift_right_arithmetic3A = arith.constant 8 : i32
    %shift_right_arithmetic3A_9 = vector.broadcast %shift_right_arithmetic3A : i32 to vector<16xi32>
    %shift_right_arithmetic3A_10 = arith.shrsi %scan3A_5, %shift_right_arithmetic3A_9 : vector<16xi32>
    %and3A_11 = arith.constant 16711935 : i32
    %and3A_12 = vector.broadcast %and3A_11 : i32 to vector<16xi32>
    %and3A_13 = arith.andi %shift_right_arithmetic3A_10, %and3A_12 : vector<16xi32>
    %add3A = arith.addi %and3A_8, %and3A_13 : vector<16xi32>
    %and3A_14 = arith.constant 65535 : i32
    %and3A_15 = vector.broadcast %and3A_14 : i32 to vector<16xi32>
    %and3A_16 = arith.andi %add3A, %and3A_15 : vector<16xi32>
    %shift_right_arithmetic3A_17 = arith.constant 16 : i32
    %shift_right_arithmetic3A_18 = vector.broadcast %shift_right_arithmetic3A_17 : i32 to vector<16xi32>
    %shift_right_arithmetic3A_19 = arith.shrsi %add3A, %shift_right_arithmetic3A_18 : vector<16xi32>
    %and3A_20 = arith.constant 65535 : i32
    %and3A_21 = vector.broadcast %and3A_20 : i32 to vector<16xi32>
    %and3A_22 = arith.andi %shift_right_arithmetic3A_19, %and3A_21 : vector<16xi32>
    %add3A_23 = arith.addi %and3A_16, %and3A_22 : vector<16xi32>
    %slice3A = vector.extract_strided_slice %add3A_23 {offsets = [0], sizes = [1], strides = [1]} : vector<16xi32> to vector<1xi32>
    %squeeze3A = vector.extract %slice3A[0] : i32 from vector<1xi32>
    %slice3A_24 = vector.extract_strided_slice %add3A_23 {offsets = [1], sizes = [1], strides = [1]} : vector<16xi32> to vector<1xi32>
    %squeeze3A_25 = vector.extract %slice3A_24[0] : i32 from vector<1xi32>
    %add3A_26 = arith.addi %squeeze3A, %squeeze3A_25 : i32
    %slice3A_27 = vector.extract_strided_slice %add3A_23 {offsets = [2], sizes = [1], strides = [1]} : vector<16xi32> to vector<1xi32>
    %squeeze3A_28 = vector.extract %slice3A_27[0] : i32 from vector<1xi32>
    %add3A_29 = arith.addi %add3A_26, %squeeze3A_28 : i32
    %slice3A_30 = vector.extract_strided_slice %add3A_23 {offsets = [3], sizes = [1], strides = [1]} : vector<16xi32> to vector<1xi32>
    %squeeze3A_31 = vector.extract %slice3A_30[0] : i32 from vector<1xi32>
    %add3A_32 = arith.addi %add3A_29, %squeeze3A_31 : i32
    %slice3A_33 = vector.extract_strided_slice %add3A_23 {offsets = [4], sizes = [1], strides = [1]} : vector<16xi32> to vector<1xi32>
    %squeeze3A_34 = vector.extract %slice3A_33[0] : i32 from vector<1xi32>
    %add3A_35 = arith.addi %add3A_32, %squeeze3A_34 : i32
    %slice3A_36 = vector.extract_strided_slice %add3A_23 {offsets = [5], sizes = [1], strides = [1]} : vector<16xi32> to vector<1xi32>
    %squeeze3A_37 = vector.extract %slice3A_36[0] : i32 from vector<1xi32>
    %add3A_38 = arith.addi %add3A_35, %squeeze3A_37 : i32
    %slice3A_39 = vector.extract_strided_slice %add3A_23 {offsets = [6], sizes = [1], strides = [1]} : vector<16xi32> to vector<1xi32>
    %squeeze3A_40 = vector.extract %slice3A_39[0] : i32 from vector<1xi32>
    %add3A_41 = arith.addi %add3A_38, %squeeze3A_40 : i32
    %slice3A_42 = vector.extract_strided_slice %add3A_23 {offsets = [7], sizes = [1], strides = [1]} : vector<16xi32> to vector<1xi32>
    %squeeze3A_43 = vector.extract %slice3A_42[0] : i32 from vector<1xi32>
    %add3A_44 = arith.addi %add3A_41, %squeeze3A_43 : i32
    %slice3A_45 = vector.extract_strided_slice %add3A_23 {offsets = [8], sizes = [1], strides = [1]} : vector<16xi32> to vector<1xi32>
    %squeeze3A_46 = vector.extract %slice3A_45[0] : i32 from vector<1xi32>
    %add3A_47 = arith.addi %add3A_44, %squeeze3A_46 : i32
    %slice3A_48 = vector.extract_strided_slice %add3A_23 {offsets = [9], sizes = [1], strides = [1]} : vector<16xi32> to vector<1xi32>
    %squeeze3A_49 = vector.extract %slice3A_48[0] : i32 from vector<1xi32>
    %add3A_50 = arith.addi %add3A_47, %squeeze3A_49 : i32
    %slice3A_51 = vector.extract_strided_slice %add3A_23 {offsets = [10], sizes = [1], strides = [1]} : vector<16xi32> to vector<1xi32>
    %squeeze3A_52 = vector.extract %slice3A_51[0] : i32 from vector<1xi32>
    %add3A_53 = arith.addi %add3A_50, %squeeze3A_52 : i32
    %slice3A_54 = vector.extract_strided_slice %add3A_23 {offsets = [11], sizes = [1], strides = [1]} : vector<16xi32> to vector<1xi32>
    %squeeze3A_55 = vector.extract %slice3A_54[0] : i32 from vector<1xi32>
    %add3A_56 = arith.addi %add3A_53, %squeeze3A_55 : i32
    %slice3A_57 = vector.extract_strided_slice %add3A_23 {offsets = [12], sizes = [1], strides = [1]} : vector<16xi32> to vector<1xi32>
    %squeeze3A_58 = vector.extract %slice3A_57[0] : i32 from vector<1xi32>
    %add3A_59 = arith.addi %add3A_56, %squeeze3A_58 : i32
    %slice3A_60 = vector.extract_strided_slice %add3A_23 {offsets = [13], sizes = [1], strides = [1]} : vector<16xi32> to vector<1xi32>
    %squeeze3A_61 = vector.extract %slice3A_60[0] : i32 from vector<1xi32>
    %add3A_62 = arith.addi %add3A_59, %squeeze3A_61 : i32
    %slice3A_63 = vector.extract_strided_slice %add3A_23 {offsets = [14], sizes = [1], strides = [1]} : vector<16xi32> to vector<1xi32>
    %squeeze3A_64 = vector.extract %slice3A_63[0] : i32 from vector<1xi32>
    %add3A_65 = arith.addi %add3A_62, %squeeze3A_64 : i32
    %slice3A_66 = vector.extract_strided_slice %add3A_23 {offsets = [15], sizes = [1], strides = [1]} : vector<16xi32> to vector<1xi32>
    %squeeze3A_67 = vector.extract %slice3A_66[0] : i32 from vector<1xi32>
    %add3A_68 = arith.addi %add3A_65, %squeeze3A_67 : i32
    %sub3A = arith.constant 1 : i32
    %sub3A_69 = arith.subi %add3A_68, %sub3A : i32
    %max3A = arith.constant 0 : i32
    %max3A_70 = arith.maxsi %sub3A_69, %max3A : i32
    %dma_start3A = arith.constant 0 : i32
    %dma_start3A_71 = arith.constant 0 : i32
    %dma_start3A_72 = tpu.memref_slice %arg4[%arg1, %dma_start3A, %dma_start3A_71] : memref<16x1x512xf32, #tpu.memory_space<hbm>> -> memref<1x1x512xf32, #tpu.memory_space<hbm>>
    %dma_start3A_73 = tpu.memref_squeeze %dma_start3A_72 : memref<1x1x512xf32, #tpu.memory_space<hbm>> -> memref<512xf32, #tpu.memory_space<hbm>>
    %dma_start3A_74 = arith.constant 0 : i32
    %dma_start3A_75 = tpu.memref_slice %arg3[%arg1, %max3A_70, %dma_start3A_74] : memref<16x2048x512xf32, #tpu.memory_space<hbm>> -> memref<1x1x512xf32, #tpu.memory_space<hbm>>
    %dma_start3A_76 = tpu.memref_squeeze %dma_start3A_75 : memref<1x1x512xf32, #tpu.memory_space<hbm>> -> memref<512xf32, #tpu.memory_space<hbm>>
    tpu.enqueue_dma source(%dma_start3A_76 : memref<512xf32, #tpu.memory_space<hbm>>) target(%dma_start3A_73 : memref<512xf32, #tpu.memory_space<hbm>>) target_semaphore(%arg6 : memref<!tpu.dma_semaphore, #tpu.memory_space<semaphore_mem>>)
    %dma_wait3A = arith.constant 0 : i32
    %dma_wait3A_77 = arith.constant 0 : i32
    %dma_wait3A_78 = tpu.memref_slice %arg4[%arg1, %dma_wait3A, %dma_wait3A_77] : memref<16x1x512xf32, #tpu.memory_space<hbm>> -> memref<1x1x512xf32, #tpu.memory_space<hbm>>
    %dma_wait3A_79 = tpu.memref_squeeze %dma_wait3A_78 : memref<1x1x512xf32, #tpu.memory_space<hbm>> -> memref<512xf32, #tpu.memory_space<hbm>>
    %dma_wait3A_80 = arith.constant 0 : i32
    %dma_wait3A_81 = tpu.memref_slice %arg3[%arg1, %max3A_70, %dma_wait3A_80] : memref<16x2048x512xf32, #tpu.memory_space<hbm>> -> memref<1x1x512xf32, #tpu.memory_space<hbm>>
    %dma_wait3A_82 = tpu.memref_squeeze %dma_wait3A_81 : memref<1x1x512xf32, #tpu.memory_space<hbm>> -> memref<512xf32, #tpu.memory_space<hbm>>
    tpu.wait_dma2 semaphore(%arg6 : memref<!tpu.dma_semaphore, #tpu.memory_space<semaphore_mem>>) src(%dma_wait3A_82 : memref<512xf32, #tpu.memory_space<hbm>>) dst(%dma_wait3A_79 : memref<512xf32, #tpu.memory_space<hbm>>)
    return
  }
}

</mosaic_0001>

<sc_bundles>
// kernel: _last_item_call.3.cloned.1.call-start
scs
__scs_entry_jumppad:
0x0: {  	(pc) =	sbr.rel $0x88, $3  }
0x1: {  	(tag) =	ssettag $0x0;
	lr =	simm.s32 $0x1  }
0x2: {  	[smem:$0x3F9F] =	sst lr;
	_ =	strace $0xD0000000  }
0x3: {  	_ = 	snop  }
0x4: {  	_ = 	snop  }
0x5: {  	_ = 	snop  }
0x6: {  	_ = 	snop  }
0x7: {  	_ = 	snop  }
__scs_overlays_trampoline_lowered:
0x8: {  	[smem:$0x3FAE] =	sst s0  }
0x9: {  	[smem:$0x3FAF] =	sst s1  }
0xa: {  	[smem:$0x3FB0] =	sst s2  }
0xb: {  	[smem:$0x3FB1] =	sst s3  }
0xc: {  	[smem:$0x3FB2] =	sst s4  }
0xd: {  	[smem:$0x3FB3] =	sst s5  }
0xe: {  	[smem:$0x3FB4] =	sst s6  }
0xf: {  	[smem:$0x3FB5] =	sst s7  }
0x10: {  	[smem:$0x3FB6] =	sst s8  }
0x11: {  	[smem:$0x3FB7] =	sst s9;
	s0 =	simm.s32 @!p0 $0x0  }
0x12: {  	s1 =	sld [smem:$0x3F9D];
	s0 =	simm.s32 @p0 $0x1  }
0x13: {  	[smem:$0x3FB8] =	sst s0;
	s0 =	simm.s32 @!p1 $0x0  }
0x14: {  	s2 =	sld [smem:$0x3F9C];
	s0 =	simm.s32 @p1 $0x1  }
0x15: {  	[smem:$0x3FB9] =	sst s0;
	s0 =	simm.s32 @!p2 $0x0  }
0x16: {  	s3 =	sld [smem:$0x3FDB];
	s0 =	simm.s32 @p2 $0x1  }
0x17: {  	s4 =	simm.s32 $0x1BF5;
	[smem:$0x3FBB] =	sst s0  }
0x18: {  	s0 =	sld [smem:$0x3F9E];
	_ =	swait.ge [sflag:s4], $0x0  }
0x19: {  	s7 =	sld [smem:$0x3F9F]  }
0x1a: {  	s8 =	sadd.s32 $0xFFFFE003, lr  }
0x1b: {  	s9 =	sadd.s32 $0xFFFFFEF7, lr;
	s5 =	simm.s32 $0xFFFFFFFF;
	p2 =	slt.u32 s8, $0xFFFFF086  }
0x1c: {  	p1 =	slt.u32 s9, $0xF7A;
	s5 =	simm.s32 @!p2 $0x0  }
0x1d: {  	s5 =	simm.s32 @p1 $0x1;
	p0 =	seq.s32 s7, s2  }
0x1e: {  	s7 =	smul.u32 @!p0 $0xF7A, s2;
	p2 =	seq.s32 @!p0 s5, $0x0  }
0x1f: {  	s9 =	smul.u32 $0xF7A, s1;
	s8 =	simm.s32 @!p0 $0x1BF5;
	p2 =	por !p2, p0  }
0x20: {  	[sflag:s8] =	ssyncset.s32 @!p0 $0xFFFFF086;
	s6 =	sadd.s32 @!p0 s3, s7;
	s7 =	simm.s32 @!p0 $0x108  }
0x21: {  	s3 =	sadd.s32 s3, s9;
	s6 =	sadd.s32 @!p0 $0x88, s6;
	s7 =	simm.s32 @p2 $0x1082  }
0x22: {  	[simem:s7], [sflag:s8] =	dma.local @!p0 [hbm:s6], $0xF7A  }
0x23: {  	s9 =	sor.u32 $0xD0000000, s2;
	s6 =	simm.s32 $0x108;
	_ =	swait.ge @!p0 [sflag:s8], $0x0  }
0x24: {  	s3 =	sadd.s32 $0x88, s3;
	s6 =	simm.s32 @!p1 $0x1082;
	[sflag:s4] =	ssyncset.s32 $0xFFFFF086  }
0x25: {  	[simem:s6], [sflag:s4] =	dma.local [hbm:s3], $0xF7A  }
0x26: {  	[smem:$0x3F9F] =	sst s1;
	(tag) =	ssettag s2;
	_ =	strace s9  }
0x27: {  	s1 =	sld [smem:$0x3FAF]  }
0x28: {  	s2 =	sld [smem:$0x3FB0]  }
0x29: {  	s4 =	sld [smem:$0x3FB2]  }
0x2a: {  	p0 =	seq.s32 s5, $0x0;
	s5 =	sld [smem:$0x3FB3]  }
0x2b: {  	s6 =	sld [smem:$0x3FB4]  }
0x2c: {  	s7 =	sld [smem:$0x3FB5]  }
0x2d: {  	s3 =	simm.s32 $0x108;
	s8 =	sld [smem:$0x3FB6]  }
0x2e: {  	s3 =	simm.s32 @!p0 $0x1082;
	s9 =	sld [smem:$0x3FB7]  }
0x2f: {  	lr =	sadd.s32 s0, s3;
	s0 =	sld [smem:$0x3FAE]  }
0x30: {  	s3 =	sld [smem:$0x3FB1]  }
0x31: {  	[smem:$0x3FBA] =	sst s10  }
0x32: {  	s10 =	sld [smem:$0x3FB8];
	_ =	sdelay $0x3  }
0x33: {  	p0 =	seq.s32 s10, $0x1;
	s10 =	sld [smem:$0x3FBA];
	_ =	sdelay $0x3  }
0x34: {  	[smem:$0x3FBA] =	sst s10  }
0x35: {  	s10 =	sld [smem:$0x3FB9];
	_ =	sdelay $0x3  }
0x36: {  	p1 =	seq.s32 s10, $0x1;
	s10 =	sld [smem:$0x3FBA];
	_ =	sdelay $0x3  }
0x37: {  	[smem:$0x3FBA] =	sst s10  }
0x38: {  	s10 =	sld [smem:$0x3FBB]  }
0x39: {  	_ = 	snop;
	(pc) =	sbr.ind lr, $3  }
0x3a: {  	_ = 	snop  }
0x3b: {  	_ = 	snop  }
0x3c: {  	p2 =	seq.s32 s10, $0x1;
	s10 =	sld [smem:$0x3FBA]  }
0x3d: {  	_ =	shalt  }
0x3e: {  	_ =	shalt  }
0x3f: {  	_ =	shalt  }
0x40: {  	_ =	shalt  }
0x41: {  	_ =	shalt  }
0x42: {  	_ =	shalt  }
0x43: {  	_ =	shalt  }
0x44: {  	_ =	shalt  }
0x45: {  	_ =	shalt  }
0x46: {  	_ =	shalt  }
0x47: {  	_ =	shalt  }
0x48: {  	_ =	shalt  }
0x49: {  	_ =	shalt  }
0x4a: {  	_ =	shalt  }
0x4b: {  	_ =	shalt  }
0x4c: {  	_ =	shalt  }
0x4d: {  	_ =	shalt  }
0x4e: {  	_ =	shalt  }
0x4f: {  	_ =	shalt  }
0x50: {  	_ =	shalt  }
0x51: {  	_ =	shalt  }
0x52: {  	_ =	shalt  }
0x53: {  	_ =	shalt  }
0x54: {  	_ =	shalt  }
0x55: {  	_ =	shalt  }
0x56: {  	_ =	shalt  }
0x57: {  	_ =	shalt  }
0x58: {  	_ =	shalt  }
0x59: {  	_ =	shalt  }
0x5a: {  	_ =	shalt  }
0x5b: {  	_ =	shalt  }
0x5c: {  	_ =	shalt  }
0x5d: {  	_ =	shalt  }
0x5e: {  	_ =	shalt  }
0x5f: {  	_ =	shalt  }
0x60: {  	_ =	shalt  }
0x61: {  	_ =	shalt  }
0x62: {  	_ =	shalt  }
0x63: {  	_ =	shalt  }
0x64: {  	_ =	shalt  }
0x65: {  	_ =	shalt  }
0x66: {  	_ =	shalt  }
0x67: {  	_ =	shalt  }
0x68: {  	_ =	shalt  }
0x69: {  	_ =	shalt  }
0x6a: {  	_ =	shalt  }
0x6b: {  	_ =	shalt  }
0x6c: {  	_ =	shalt  }
0x6d: {  	_ =	shalt  }
0x6e: {  	_ =	shalt  }
0x6f: {  	_ =	shalt  }
0x70: {  	_ =	shalt  }
0x71: {  	_ =	shalt  }
0x72: {  	_ =	shalt  }
0x73: {  	_ =	shalt  }
0x74: {  	_ =	shalt  }
0x75: {  	_ =	shalt  }
0x76: {  	_ =	shalt  }
0x77: {  	_ =	shalt  }
0x78: {  	_ =	shalt  }
0x79: {  	_ =	shalt  }
0x7a: {  	_ =	shalt  }
0x7b: {  	_ =	shalt  }
0x7c: {  	_ =	shalt  }
0x7d: {  	_ =	shalt  }
0x7e: {  	_ =	shalt  }
0x7f: {  	_ =	shalt  }
0x80: {  	_ =	shalt  }
0x81: {  	_ =	shalt  }
0x82: {  	_ =	shalt  }
0x83: {  	_ =	shalt  }
0x84: {  	_ =	shalt  }
0x85: {  	_ =	shalt  }
0x86: {  	_ =	shalt  }
0x87: {  	_ =	shalt  }
.Lfunc_end0:
.L_simem_size_0:
called_computation_lowered:
.L_overlay_start_0:
0x88: {  	s0 =	sld [smem:$0x3FD9]  }
0x89: {  	s1 =	sld [smem:$0x3FFE];
	_ =	sdelay $0x3  }
0x8a: {  	s0 =	sadd.s32 s1, s0  }
0x8b: {  	[smem:$0x3FC6] =	sst s0  }
0x8c: {  	_ = 	snop  }
0x8d: {  	s0 =	sld [smem:$0x3FC9]  }
0x8e: {  	s17 =	sld [smem:$0x3FC8]  }
0x8f: {  	s2 =	sld [smem:$0x3FD0];
	(tm) =	ssettm $0x1  }
0x90: {  	s3 =	sld [smem:$0x3FFB];
	_ =	sdelay $0x3  }
0x91: {  	_ =	strace s3  }
0x92: {  	s3 =	sld [smem:$0x3FFC];
	_ =	sdelay $0x3  }
0x93: {  	_ =	strace s3  }
0x94: {  	s3 =	sld [smem:$0x3FFD];
	_ =	sdelay $0x3  }
0x95: {  	_ =	strace s3  }
0x96: {  	_ =	strace $0x8FFFFFFF  }
0x97: {  	s18 =	sld [smem:$0x3FDB];
	_ =	sdelay $0x1  }
0x98: {  	s4 =	simm.s32 $_scs_section_size  }
0x99: {  	s5 =	simm.s32 $_size__tile_overlayer_lowered;
	s6 =	simm.s32 $_tile_overlayer_lowered  }
0x9a: {  	s21 =	simm.s32 $0x1BFF;
	s20 =	sshll.u32 s6, $0x1;
	s3 =	sadd.s32 s4, s18  }
0x9b: {  	s7 =	simm.s32 $0x0;
	s19 =	sshll.u32 s5, $0x1;
	s5 =	sadd.s32 s20, s3  }
0x9c: {  	[timem:s7], [sflag:s21] =	dma.local [hbm:s5], s19  }
0x9d: {  	_ =	swait.ge [sflag:s21], s19  }
0x9e: {  	s4 =	ssub.s32 $0x0, s19;
	[sflag:s21] =	ssyncset.done $0x0  }
0x9f: {  	[sflag:s21] =	ssyncadd.s32 s4;
	_ =	sdelay $0x1  }
0xa0: {  	s22 =	simm.s32 $0x1B8B  }
0xa1: {  	_ =	swait.ge [sflag:s22], $0x1  }
0xa2: {  	[sflag:s22] =	ssyncset.done $0x0  }
0xa3: {  	s23 =	simm.s32 $0x1B8E;
	[sflag:s22] =	ssyncadd.s32 $0xFFFFFFFF  }
0xa4: {  	s24 =	simm.s32 $execute0_lowered;
	[smem:$0x3FD2] =	sst s23  }
0xa5: {  	s4 =	sshll.u32 s24, $0x1;
	_ =	strace $0x80000046;
	[dreg:$0x1] =	wrdreg $0xFFFFFFFF  }
0xa6: {  	s25 =	simm.s32 $_size_execute0_lowered;
	s3 =	sadd.s32 s3, s4;
	[dreg:$0x0] =	wrdreg $0x0  }
0xa7: {  	s4 =	sshll.u32 s25, $0x1;
	[dreg:$0x2] =	wrdreg s3  }
0xa8: {  	[dreg:$0x3] =	wrdreg s4  }
0xa9: {  	[dreg:$0x4] =	wrdreg $0xC0  }
0xaa: {  	_ =	task [dreg:s7], $0x5FFFF  }
0xab: {  	[dreg:$0x1] =	wrdreg $0xFFFFFFFF  }
0xac: {  	[dreg:$0x0] =	wrdreg $0x60  }
0xad: {  	[dreg:$0x2] =	wrdreg s0  }
0xae: {  	[dreg:$0x3] =	wrdreg s17  }
0xaf: {  	[dreg:$0x4] =	wrdreg s2  }
0xb0: {  	[dreg:$0x5] =	wrdreg $0x9  }
0xb1: {  	_ =	task.clear_ibuf [dreg:s7], $0x6FFFF;
	_ =	strace $0x90000046  }
0xb2: {  	s26 =	simm.s32 $0x9;
	_ =	strace $0x80000048  }
0xb3: {  	_ =	swait.ge [sflag:s26], $0x1  }
0xb4: {  	[sflag:s26] =	ssyncadd.s32 $0xFFFFFFFF  }
0xb5: {  	_ =	strace $0x90000048  }
0xb6: {  	_ =	sfence  }
0xb7: {  	s28 =	sld [smem:$0x0];
	_ =	sdelay $0x1  }
0xb8: {  	s29 =	srdreg.scid  }
0xb9: {  	s30 =	sshll.u32 s29, $0xD;
	s31 =	sshrl.u32 s29, $0x2  }
0xba: {  	s1 =	sand.u32 $0x1, s29;
	s2 =	sand.u32 $0x4000, s30;
	s0 =	sadd.s32 s31, s28  }
0xbb: {  	s1 =	sor.u32 s2, s1;
	s0 =	sshll.u32 s0, $0x11  }
0xbc: {  	s0 =	sor.u32 s0, s1  }
0xbd: {  	s0 =	sadd.s32 $0x8F2B, s0  }
0xbe: {  	[sflag:s0] =	ssyncadd.remote.s32 $0x1  }
0xbf: {  	_ =	sfence.sel $0xFFFF  }
0xc0: {  	[dreg:$0x0] =	wrdreg $0xFFFFFFFF;
	(pc) =	sbr.abs _section_cstart, $3  }
0xc1: {  	[dreg:$0x1] =	wrdreg $0xFFFFFFFF  }
0xc2: {  	_ =	task.clear_ibuf [dreg:s7], $0x2FFFF;
	_ =	strace $0x9FFFFFFF  }
0xc3: {  	(tm) =	ssettm $0x7FFFFFFF  }
tec
execute0_lowered:
.L_overlay_start_1:
0x0: {  	(tag) =	ssettag $0x1  }
0x1: {  	s5 =	rddreg [dreg:$0x0]  }
0x2: {  	s2 =	rddreg [dreg:$0x1]  }
0x3: {  	s3 =	rddreg [dreg:$0x2]  }
0x4: {  	s1 =	stileid.u32;
	s0 =	rddreg [dreg:$0x3]  }
0x5: {  	s6 =	simm.s32 $0x0;
	s9 =	simm.s32 $0x400;
	s7 =	sshll.u32 s1, $0x4  }
0x6: {  	s10 =	simm.s32 $0x2;
	s4 =	sshll.u32 s1, $0x6;
	s7 =	sand.u32 $0x70, s7  }
0x7: {  	[smem:$0x7FF] =	sst s6;
	s8 =	sand.u32 $0x200, s4;
	s5 =	sadd.s32 s5, s7  }
0x8: {  	_ =	strace $0x80000047;
	s7 =	sadd.s32 s8, s5;
	s5 =	simm.s32 $0x80  }
0x9: {  	[tilespmem:s6], [sflag:$0x2] =	stream.strided.gather [hbm4b:s7+s5], $0x200, s9, s5, $0x38;
	[tilespmem:$0x200] =	vst v63  }
0xa: {  	_ =	swait.ge [sflag:s10], $0x200  }
0xb: {  	[sflag:s10] =	ssyncset.done $0x0  }
0xc: {  	[sflag:s10] =	ssyncadd.s32 $0xFFFFFE00  }
0xd: {  	v0 =	vld [tilespmem:$0x0]  }
0xe: {  	v1 =	vld [tilespmem:$0x10]  }
0xf: {  	v2 =	vld [tilespmem:$0x20]  }
0x10: {  	v3 =	vld [tilespmem:$0x30]  }
0x11: {  	v4 =	vld [tilespmem:$0x40]  }
0x12: {  	v5 =	vld [tilespmem:$0x50]  }
0x13: {  	v38 =	vld [tilespmem:$0x60];
	v0 =	vadd.s32 v0, v1  }
0x14: {  	v39 =	vld [tilespmem:$0x70];
	v0 =	vadd.s32 v0, v2  }
0x15: {  	v40 =	vld [tilespmem:$0x80];
	v0 =	vadd.s32 v0, v3  }
0x16: {  	v41 =	vld [tilespmem:$0x90];
	v0 =	vadd.s32 v0, v4  }
0x17: {  	v42 =	vld [tilespmem:$0xA0];
	v0 =	vadd.s32 v0, v5  }
0x18: {  	v43 =	vld [tilespmem:$0xB0];
	v0 =	vadd.s32 v0, v38  }
0x19: {  	v44 =	vld [tilespmem:$0xC0];
	v0 =	vadd.s32 v0, v39  }
0x1a: {  	v45 =	vld [tilespmem:$0xD0];
	v0 =	vadd.s32 v0, v40  }
0x1b: {  	v46 =	vld [tilespmem:$0xE0];
	v0 =	vadd.s32 v0, v41  }
0x1c: {  	v47 =	vld [tilespmem:$0xF0];
	v0 =	vadd.s32 v0, v42  }
0x1d: {  	v48 =	vld [tilespmem:$0x100];
	v0 =	vadd.s32 v0, v43  }
0x1e: {  	v49 =	vld [tilespmem:$0x110];
	v0 =	vadd.s32 v0, v44  }
0x1f: {  	v50 =	vld [tilespmem:$0x120];
	v0 =	vadd.s32 v0, v45  }
0x20: {  	v51 =	vld [tilespmem:$0x130];
	v0 =	vadd.s32 v0, v46  }
0x21: {  	v52 =	vld [tilespmem:$0x140];
	v0 =	vadd.s32 v0, v47  }
0x22: {  	v53 =	vld [tilespmem:$0x150];
	v0 =	vadd.s32 v0, v48  }
0x23: {  	v54 =	vld [tilespmem:$0x160];
	v0 =	vadd.s32 v0, v49  }
0x24: {  	v55 =	vld [tilespmem:$0x170];
	v0 =	vadd.s32 v0, v50  }
0x25: {  	v56 =	vld [tilespmem:$0x180];
	v0 =	vadd.s32 v0, v51  }
0x26: {  	v57 =	vld [tilespmem:$0x190];
	v0 =	vadd.s32 v0, v52  }
0x27: {  	v58 =	vld [tilespmem:$0x1A0];
	v0 =	vadd.s32 v0, v53  }
0x28: {  	v59 =	vld [tilespmem:$0x1B0];
	v0 =	vadd.s32 v0, v54  }
0x29: {  	v60 =	vld [tilespmem:$0x1C0];
	v0 =	vadd.s32 v0, v55  }
0x2a: {  	v61 =	vld [tilespmem:$0x1D0];
	v0 =	vadd.s32 v0, v56  }
0x2b: {  	v62 =	vld [tilespmem:$0x1E0];
	v0 =	vadd.s32 v0, v57  }
0x2c: {  	v63 =	vld [tilespmem:$0x1F0];
	v0 =	vadd.s32 v0, v58  }
0x2d: {  	v0 =	vadd.s32 v0, v59  }
0x2e: {  	v0 =	vadd.s32 v0, v60  }
0x2f: {  	v0 =	vadd.s32 v0, v61  }
0x30: {  	v0 =	vadd.s32 v0, v62  }
0x31: {  	v0 =	vadd.s32 v0, v63  }
0x32: {  	v1 =	vshrl.u32 v0, $0x8  }
0x33: {  	v0 =	vand.u32 $0xFF00FF, v0;
	v1 =	vand.u32 $0xFF00FF, v1  }
0x34: {  	v0 =	vadd.s32 v0, v1  }
0x35: {  	v1 =	vand.u32 $0x1FF, v0;
	v0 =	vshrl.u32 v0, $0x10  }
0x36: {  	v0 =	vadd.s32 v0, v1  }
0x37: {  	(v2sf) =	vpush v0, $0x0  }
0x38: {  	(v2sf) =	vpush v0, $0x1  }
0x39: {  	(v2sf) =	vpush v0, $0x2  }
0x3a: {  	(v2sf) =	vpush v0, $0x3  }
0x3b: {  	(v2sf) =	vpush v0, $0x4  }
0x3c: {  	(v2sf) =	vpush v0, $0x5  }
0x3d: {  	(v2sf) =	vpush v0, $0x6  }
0x3e: {  	(v2sf) =	vpush v0, $0x7  }
0x3f: {  	(v2sf) =	vpush v0, $0x8  }
0x40: {  	(v2sf) =	vpush v0, $0x9  }
0x41: {  	(v2sf) =	vpush v0, $0xA  }
0x42: {  	(v2sf) =	vpush v0, $0xB  }
0x43: {  	(v2sf) =	vpush v0, $0xC  }
0x44: {  	(v2sf) =	vpush v0, $0xD  }
0x45: {  	(v2sf) =	vpush v0, $0xE  }
0x46: {  	s11 =	spop (v2sf);
	(v2sf) =	vpush v0, $0xF  }
0x47: {  	s12 =	spop (v2sf)  }
0x48: {  	s13 =	spop (v2sf);
	s6 =	sadd.s32 s11, s12  }
0x49: {  	s14 =	spop (v2sf);
	s6 =	sadd.s32 s13, s6  }
0x4a: {  	s15 =	spop (v2sf);
	s6 =	sadd.s32 s14, s6  }
0x4b: {  	s16 =	spop (v2sf);
	s6 =	sadd.s32 s15, s6  }
0x4c: {  	s17 =	spop (v2sf);
	s6 =	sadd.s32 s16, s6  }
0x4d: {  	s18 =	spop (v2sf);
	s6 =	sadd.s32 s17, s6  }
0x4e: {  	s19 =	spop (v2sf);
	s6 =	sadd.s32 s18, s6  }
0x4f: {  	s20 =	spop (v2sf);
	s6 =	sadd.s32 s19, s6  }
0x50: {  	s21 =	spop (v2sf);
	s6 =	sadd.s32 s20, s6  }
0x51: {  	s22 =	spop (v2sf);
	s6 =	sadd.s32 s21, s6  }
0x52: {  	s23 =	spop (v2sf);
	s6 =	sadd.s32 s22, s6  }
0x53: {  	s24 =	spop (v2sf);
	s6 =	sadd.s32 s23, s6  }
0x54: {  	s25 =	spop (v2sf);
	s6 =	sadd.s32 s24, s6  }
0x55: {  	s26 =	spop (v2sf);
	s6 =	sadd.s32 s25, s6  }
0x56: {  	s6 =	sadd.s32 s26, s6  }
0x57: {  	s6 =	sadd.s32 $0xFFFFFFFF, s6  }
0x58: {  	p0 =	sgt.s32 s6, $0x0  }
0x59: {  	s6 =	simm.s32 @!p0 $0x0  }
0x5a: {  	s28 =	sshll.u32 s6, $0x9  }
0x5b: {  	s29 =	sshll.u32 s1, $0x14;
	s6 =	sshll.u32 s6, $0x7;
	s7 =	sand.u32 $0xFFFFF000, s28  }
0x5c: {  	s6 =	sand.u32 $0x380, s6;
	s7 =	sadd.s32 s29, s7  }
0x5d: {  	s6 =	sor.u32 s6, s7  }
0x5e: {  	s30 =	simm.s32 $0x1;
	s31 =	simm.s32 $0x10;
	s6 =	sshrl.u32 s6, $0x3  }
0x5f: {  	s3 =	sadd.s32 s3, s4;
	s4 =	sor.u32 $0x1C01, s4;
	s2 =	sadd.s32 s2, s6  }
0x60: {  	[hbm:s3@s31], [sflag:s4] =	dma.strided [hbm:s2@s5], $0x40, s30, $0x10   }
0x61: {  	_ =	swait.ge [sflag:s30], $0x40  }
0x62: {  	[sflag:s30] =	ssyncset.done $0x0  }
0x63: {  	[sflag:s30] =	ssyncadd.s32 $0xFFFFFFC0  }
0x64: {  	_ =	sfence.sel $0x180000  }
0x65: {  	[bflag:$0x0] =	sbarrier.arrive $0xFFFF  }
0x66: {  	p0 =	sne.s32 s1, $0x0;
	_ =	strace $0x90000047  }
0x67: {  	s0 =	sadd.s32 @!p0 $0x100000, s0;
	[bflag:$0x2] =	sbarrier.arrive $0xFFFF  }
0x68: {  	[sflag:s0] =	ssyncadd.tile.s32 @!p0 $0x1;
	_ =	shalt  }
.Lfunc_end2:
_tile_overlayer_lowered:
.L_overlay_start_2:
0x69: {  	(tag) =	ssettag $0x2  }
0x6a: {  	s0 =	rddreg [dreg:$0x0];
	s2 =	stileid.u32  }
0x6b: {  	s1 =	rddreg [dreg:$0x1];
	p0 =	sne.s32 s2, $0x0  }
0x6c: {  	s3 =	rddreg [dreg:$0x2];
	[bflag:$0x3] =	sbarrier.arrive $0xFFFF;
	s2 =	simm.s32 @!p0 $0x1C02  }
0x6d: {  	[timem:s3], [sflag:s2] =	dma.local @!p0 [hbm:s0], s1  }
0x6e: {  	s0 =	simm.s32 @!p0 $0x2  }
0x6f: {  	_ =	swait.ge @!p0 [sflag:s0], s1  }
0x70: {  	s1 =	ssub.s32 @!p0 $0x0, s1;
	[sflag:s0] =	ssyncset.done @!p0 $0x0  }
0x71: {  	[sflag:s0] =	ssyncadd.s32 @!p0 s1  }
0x72: {  	[bflag:$0x3] =	sbarrier.arrive $0xFFFF  }
0x73: {  	_ =	shalt  }

</sc_bundles>
